<compile_context>
chip_gen: v7x
topology: tpu7x:2x2x1
jax: 0.10.2.dev20260603
libtpu: 0.0.44.dev20260713+nightly
codegen_flags: <defaults>
</compile_context>

<pallas_src>
import functools

import jax
import jax.numpy as jnp
from jax import lax
from jax.experimental import pallas as pl
from jax.experimental.pallas import tpu as pltpu
from jax.experimental.pallas import tpu_sc as plsc

DIM = 128
N_ROWS = 1024
N_POS = 327680
NC, NS = 2, 16
NW = NC * NS
PER_W = N_POS // NW
CHUNK = 256
N_CHUNKS = PER_W // CHUNK
NBUF = 2
LOOKAHEAD = 1


def _rowsxpt(rows, p):
    return lax.dot_general(
        rows, p, (((1,), (1,)), ((), ())),
        preferred_element_type=jnp.float32)


def _table_body(prim_ref, init_ref, out_ref):
    p0 = prim_ref[0]
    p1 = prim_ref[1]
    out_ref[0:1, :] = init_ref[...]
    for k in range(1, 10):
        h = 1 << (k - 1)
        prev = out_ref[pl.ds(h - 1, h), :]
        out_ref[pl.ds(2 * h - 1, h), :] = _rowsxpt(prev, p0)
        out_ref[pl.ds(3 * h - 1, h), :] = _rowsxpt(prev, p1)
    out_ref[pl.ds(N_ROWS - 1, 1), :] = _rowsxpt(out_ref[pl.ds(511, 1), :], p0)


_build_table = pl.pallas_call(
    _table_body,
    out_shape=jax.ShapeDtypeStruct((N_ROWS, DIM), jnp.float32),
)

@functools.cache
def _make_gather():
    mesh = plsc.VectorSubcoreMesh(core_axis_name="c", subcore_axis_name="s")

    @functools.partial(
        pl.kernel,
        mesh=mesh,
        out_type=jax.ShapeDtypeStruct((N_POS, DIM), jnp.float32),
        scratch_types=[
            pltpu.VMEM((PER_W,), jnp.int32),
            pltpu.VMEM((NBUF, CHUNK, DIM), jnp.float32),
            pltpu.VMEM_SHARED((N_ROWS, DIM), jnp.float32),
        ] + [pltpu.SemaphoreType.DMA] * (2 * NBUF),
    )
    def _gather(table_hbm, idx_hbm, out_hbm, idx_v, rows, tab_sh, *sems):
        gsem = sems[:NBUF]
        wsem = sems[NBUF:]
        sid = lax.axis_index("s")
        wid = sid * NC + lax.axis_index("c")
        base = wid * PER_W

        @pl.when(sid == 0)
        def _():
            pltpu.sync_copy(table_hbm, tab_sh)

        pltpu.sync_copy(idx_hbm.at[pl.ds(base, PER_W)], idx_v)
        plsc.subcore_barrier()

        def fire_gather(j, s):
            pltpu.async_copy(
                tab_sh.at[idx_v.at[pl.ds(j * CHUNK, CHUNK)]], rows.at[s],
                gsem[s])

        def wait_gather(s):
            pltpu.make_async_copy(
                table_hbm.at[pl.ds(0, CHUNK)], rows.at[s], gsem[s]).wait()

        def fire_write(j, s):
            pltpu.async_copy(
                rows.at[s], out_hbm.at[pl.ds(base + j * CHUNK, CHUNK)],
                wsem[s])

        def wait_write(s):
            pltpu.make_async_copy(
                rows.at[s], out_hbm.at[pl.ds(base, CHUNK)], wsem[s]).wait()

        for j in range(LOOKAHEAD):
            fire_gather(j, j)

        def body(jo, carry):
            for u in range(NBUF):
                j = jo * NBUF + u
                wait_gather(u)
                fire_write(j, u)

                @pl.when(j + LOOKAHEAD < N_CHUNKS)
                def _():
                    ns = (u + LOOKAHEAD) % NBUF

                    @pl.when(j - (NBUF - LOOKAHEAD) >= 0)
                    def _():
                        wait_write(ns)

                    fire_gather(j + LOOKAHEAD, ns)
            return carry

        lax.fori_loop(0, N_CHUNKS // NBUF, body, 0)
        for s in range(NBUF):
            wait_write(s)

    return _gather


def kernel(node_positions, primitives, init):
    table = _build_table(primitives, init.reshape(1, DIM))
    idx = node_positions - 1
    return _make_gather()(table, idx)

# --- scband reference (transcript-rebuilt; emitter-appended) ---
"""Pipeline reference for scband-binary-path-encoder-81415400063200 (READ-ONLY COPY).

The authoritative reference and input builder live on the scoring server;
editing this copy changes nothing except your own understanding.
"""

import jax, jax.numpy as jnp
import numpy as np

DIM = 128
UP_TO = 1023  # precompute(up_to) called at module setup; table has UP_TO+1 rows
N_POSITIONS = 327680  # 16384 batch * 20 hist_len


def setup_inputs(seed: int = 0) -> dict:
    key = jax.random.key(seed)
    k1, k2, k3 = jax.random.split(key, 3)
    primitives = jax.random.normal(k1, (2, DIM, DIM), dtype=jnp.float32)
    init = jax.random.normal(k2, (DIM,), dtype=jnp.float32)
    # node_positions must be in [1, UP_TO+1] since forward indexes with node_positions - 1
    node_positions = jax.random.randint(k3, (N_POSITIONS,), 1, UP_TO + 2, dtype=jnp.int32)
    return {"node_positions": node_positions, "primitives": primitives, "init": init}


def reference(node_positions, primitives, init):
    # Faithful port of BinaryPathEncoder.precompute(up_to) + forward(node_positions).
    precomputed = [jnp.eye(DIM, dtype=primitives.dtype), primitives[0], primitives[1]]
    for i in range(3, UP_TO + 1):
        precomputed.append(precomputed[(i + 1) // 2 - 1] @ primitives[(i + 1) % 2])
    table = jnp.stack(precomputed) @ init  # [UP_TO+1, DIM]
    # torch.index_select(self.precomputed, 0, node_positions - 1)
    return jnp.take(table, node_positions - 1, axis=0)

if __name__ == "__main__":
    import jax
    _d = setup_inputs()
    print(jax.jit(kernel)(*tuple(_d.values())))

</pallas_src>

<mosaic_0001>
#map = affine_map<(d0, d1) -> (0, 0)>
#map1 = affine_map<(d0, d1) -> (0)>
module attributes {stable_mosaic.version = 14 : i64} {
  func.func @_gather(%arg0: i32, %arg1: i32, %arg2: memref<1024x128xf32, #tpu.memory_space<hbm>>, %arg3: memref<327680xi32, #tpu.memory_space<hbm>>, %arg4: memref<327680x128xf32, #tpu.memory_space<hbm>>, %arg5: memref<10240xi32, #tpu.memory_space<vmem>>, %arg6: memref<2x256x128xf32, #tpu.memory_space<vmem>>, %arg7: memref<1024x128xf32, #tpu.memory_space<vmem_shared>>, %arg8: memref<!tpu.dma_semaphore, #tpu.memory_space<semaphore_mem>>, %arg9: memref<!tpu.dma_semaphore, #tpu.memory_space<semaphore_mem>>, %arg10: memref<!tpu.dma_semaphore, #tpu.memory_space<semaphore_mem>>, %arg11: memref<!tpu.dma_semaphore, #tpu.memory_space<semaphore_mem>>) attributes {dimension_semantics = [#tpu.dimension_semantics<core_parallel>, #tpu.dimension_semantics<subcore_parallel>], iteration_bounds = array<i64: 2, 16>, scalar_prefetch = 0 : i64, scratch_operands = 7 : i64, tpu.core_type = #tpu.core_type<sc_vector_subcore>, window_params = [{transform_indices = #map}, {transform_indices = #map1}, {transform_indices = #map}]} {
    %mul3A = arith.constant 2 : i32
    %mul3A_0 = arith.muli %arg1, %mul3A : i32
    %add3A = arith.addi %mul3A_0, %arg0 : i32
    %mul3A_1 = arith.constant 10240 : i32
    %mul3A_2 = arith.muli %add3A, %mul3A_1 : i32
    %eq3A = arith.constant 0 : i32
    %eq3A_3 = arith.cmpi eq, %arg1, %eq3A : i32
    %convert_element_type3A = arith.extui %eq3A_3 : i1 to i32
    %cond3A = arith.constant 0 : i32
    %cond3A_4 = arith.cmpi ne, %convert_element_type3A, %cond3A : i32
    scf.if %cond3A_4 {
      "tpu.region"() ({
        %run_scoped3A = tpu.sem_alloc : memref<!tpu.dma_semaphore, #tpu.memory_space<semaphore_mem>>
        tpu.enqueue_dma source(%arg2 : memref<1024x128xf32, #tpu.memory_space<hbm>>) target(%arg7 : memref<1024x128xf32, #tpu.memory_space<vmem_shared>>) target_semaphore(%run_scoped3A : memref<!tpu.dma_semaphore, #tpu.memory_space<semaphore_mem>>)
        tpu.wait_dma2 semaphore(%run_scoped3A : memref<!tpu.dma_semaphore, #tpu.memory_space<semaphore_mem>>) src(%arg2 : memref<1024x128xf32, #tpu.memory_space<hbm>>) dst(%arg7 : memref<1024x128xf32, #tpu.memory_space<vmem_shared>>)
        tpu.yield
      }) : () -> ()
    } else {
    }
    "tpu.region"() ({
      %run_scoped3A = tpu.sem_alloc : memref<!tpu.dma_semaphore, #tpu.memory_space<semaphore_mem>>
      %dma_start3A_44 = tpu.memref_slice %arg3[%mul3A_2] : memref<327680xi32, #tpu.memory_space<hbm>> -> memref<10240xi32, #tpu.memory_space<hbm>>
      %dma_start3A_45 = tpu.memref_slice %arg3[%mul3A_2] : memref<327680xi32, #tpu.memory_space<hbm>> -> memref<10240xi32, #tpu.memory_space<hbm>>
      tpu.enqueue_dma source(%dma_start3A_45 : memref<10240xi32, #tpu.memory_space<hbm>>) target(%arg5 : memref<10240xi32, #tpu.memory_space<vmem>>) target_semaphore(%run_scoped3A : memref<!tpu.dma_semaphore, #tpu.memory_space<semaphore_mem>>)
      %dma_wait3A_46 = tpu.memref_slice %arg3[%mul3A_2] : memref<327680xi32, #tpu.memory_space<hbm>> -> memref<10240xi32, #tpu.memory_space<hbm>>
      %dma_wait3A_47 = tpu.memref_slice %arg3[%mul3A_2] : memref<327680xi32, #tpu.memory_space<hbm>> -> memref<10240xi32, #tpu.memory_space<hbm>>
      tpu.wait_dma2 semaphore(%run_scoped3A : memref<!tpu.dma_semaphore, #tpu.memory_space<semaphore_mem>>) src(%dma_wait3A_47 : memref<10240xi32, #tpu.memory_space<hbm>>) dst(%arg5 : memref<10240xi32, #tpu.memory_space<vmem>>)
      tpu.yield
    }) : () -> ()
    %barrier3A = arith.constant 0 : index
    tpu.barrier barrier_id(%barrier3A)
    %dma_start3A = arith.constant 0 : i32
    %dma_start3A_5 = arith.constant 0 : i32
    %dma_start3A_6 = arith.constant 0 : i32
    %dma_start3A_7 = tpu.memref_slice %arg6[%dma_start3A, %dma_start3A_5, %dma_start3A_6] : memref<2x256x128xf32, #tpu.memory_space<vmem>> -> memref<1x256x128xf32, #tpu.memory_space<vmem>>
    %dma_start3A_8 = tpu.memref_squeeze %dma_start3A_7 : memref<1x256x128xf32, #tpu.memory_space<vmem>> -> memref<256x128xf32, #tpu.memory_space<vmem>>
    %dma_start3A_9 = arith.constant 0 : i32
    %dma_start3A_10 = tpu.memref_slice %arg5[%dma_start3A_9] : memref<10240xi32, #tpu.memory_space<vmem>> -> memref<256xi32, #tpu.memory_space<vmem>>
    %dma_start3A_11 = arith.constant 0 : i32
    %dma_start3A_12 = arith.constant 0 : i32
    %dma_start3A_13 = tpu.memref_slice %arg7[%dma_start3A_11, %dma_start3A_12] : memref<1024x128xf32, #tpu.memory_space<vmem_shared>> -> memref<1024x128xf32, #tpu.memory_space<vmem_shared>>
    tpu.enqueue_indirect_dma source(%dma_start3A_13 : memref<1024x128xf32, #tpu.memory_space<vmem_shared>>) target(%dma_start3A_8 : memref<256x128xf32, #tpu.memory_space<vmem>>) offsets(%dma_start3A_10 : memref<256xi32, #tpu.memory_space<vmem>>) semaphore(%arg8 : memref<!tpu.dma_semaphore, #tpu.memory_space<semaphore_mem>>)
    %scan3A = arith.constant 0 : i32
    %scan3A_14 = arith.constant 0 : i32
    %scan3A_15 = arith.constant 20 : i32
    %scan3A_16 = arith.addi %scan3A_14, %scan3A_15 : i32
    %scan3A_17 = arith.constant 1 : i32
    scf.for %scan3A_44 = %scan3A_14 to %scan3A_16 step %scan3A_17  : i32 {
      %mul3A_45 = arith.constant 2 : i32
      %mul3A_46 = arith.muli %scan3A_44, %mul3A_45 : i32
      %add3A_47 = arith.constant 0 : i32
      %add3A_48 = arith.addi %mul3A_46, %add3A_47 : i32
      %dma_wait3A_49 = arith.constant 0 : i32
      %dma_wait3A_50 = arith.constant 0 : i32
      %dma_wait3A_51 = arith.constant 0 : i32
      %dma_wait3A_52 = tpu.memref_slice %arg6[%dma_wait3A_49, %dma_wait3A_50, %dma_wait3A_51] : memref<2x256x128xf32, #tpu.memory_space<vmem>> -> memref<1x256x128xf32, #tpu.memory_space<vmem>>
      %dma_wait3A_53 = tpu.memref_squeeze %dma_wait3A_52 : memref<1x256x128xf32, #tpu.memory_space<vmem>> -> memref<256x128xf32, #tpu.memory_space<vmem>>
      %dma_wait3A_54 = arith.constant 0 : i32
      %dma_wait3A_55 = arith.constant 0 : i32
      %dma_wait3A_56 = tpu.memref_slice %arg2[%dma_wait3A_54, %dma_wait3A_55] : memref<1024x128xf32, #tpu.memory_space<hbm>> -> memref<256x128xf32, #tpu.memory_space<hbm>>
      %dma_wait3A_57 = arith.constant 0 : i32
      %dma_wait3A_58 = arith.constant 0 : i32
      %dma_wait3A_59 = tpu.memref_slice %arg6[%dma_wait3A_49, %dma_wait3A_57, %dma_wait3A_58] : memref<2x256x128xf32, #tpu.memory_space<vmem>> -> memref<1x256x128xf32, #tpu.memory_space<vmem>>
      %dma_wait3A_60 = tpu.memref_squeeze %dma_wait3A_59 : memref<1x256x128xf32, #tpu.memory_space<vmem>> -> memref<256x128xf32, #tpu.memory_space<vmem>>
      %dma_wait3A_61 = arith.constant 0 : i32
      %dma_wait3A_62 = arith.constant 0 : i32
      %dma_wait3A_63 = tpu.memref_slice %arg2[%dma_wait3A_61, %dma_wait3A_62] : memref<1024x128xf32, #tpu.memory_space<hbm>> -> memref<256x128xf32, #tpu.memory_space<hbm>>
      tpu.wait_dma2 semaphore(%arg8 : memref<!tpu.dma_semaphore, #tpu.memory_space<semaphore_mem>>) src(%dma_wait3A_63 : memref<256x128xf32, #tpu.memory_space<hbm>>) dst(%dma_wait3A_60 : memref<256x128xf32, #tpu.memory_space<vmem>>)
      %mul3A_64 = arith.constant 256 : i32
      %mul3A_65 = arith.muli %add3A_48, %mul3A_64 : i32
      %add3A_66 = arith.addi %mul3A_2, %mul3A_65 : i32
      %dma_start3A_67 = arith.constant 0 : i32
      %dma_start3A_68 = arith.constant 0 : i32
      %dma_start3A_69 = arith.constant 0 : i32
      %dma_start3A_70 = tpu.memref_slice %arg6[%dma_start3A_67, %dma_start3A_68, %dma_start3A_69] : memref<2x256x128xf32, #tpu.memory_space<vmem>> -> memref<1x256x128xf32, #tpu.memory_space<vmem>>
      %dma_start3A_71 = tpu.memref_squeeze %dma_start3A_70 : memref<1x256x128xf32, #tpu.memory_space<vmem>> -> memref<256x128xf32, #tpu.memory_space<vmem>>
      %dma_start3A_72 = arith.constant 0 : i32
      %dma_start3A_73 = tpu.memref_slice %arg4[%add3A_66, %dma_start3A_72] : memref<327680x128xf32, #tpu.memory_space<hbm>> -> memref<256x128xf32, #tpu.memory_space<hbm>>
      %dma_start3A_74 = arith.constant 0 : i32
      %dma_start3A_75 = tpu.memref_slice %arg4[%add3A_66, %dma_start3A_74] : memref<327680x128xf32, #tpu.memory_space<hbm>> -> memref<256x128xf32, #tpu.memory_space<hbm>>
      %dma_start3A_76 = arith.constant 0 : i32
      %dma_start3A_77 = arith.constant 0 : i32
      %dma_start3A_78 = tpu.memref_slice %arg6[%dma_start3A_67, %dma_start3A_76, %dma_start3A_77] : memref<2x256x128xf32, #tpu.memory_space<vmem>> -> memref<1x256x128xf32, #tpu.memory_space<vmem>>
      %dma_start3A_79 = tpu.memref_squeeze %dma_start3A_78 : memref<1x256x128xf32, #tpu.memory_space<vmem>> -> memref<256x128xf32, #tpu.memory_space<vmem>>
      tpu.enqueue_dma source(%dma_start3A_79 : memref<256x128xf32, #tpu.memory_space<vmem>>) target(%dma_start3A_75 : memref<256x128xf32, #tpu.memory_space<hbm>>) target_semaphore(%arg10 : memref<!tpu.dma_semaphore, #tpu.memory_space<semaphore_mem>>)
      %add3A_80 = arith.constant 1 : i32
      %add3A_81 = arith.addi %add3A_48, %add3A_80 : i32
      %lt3A = arith.constant 40 : i32
      %lt3A_82 = arith.cmpi slt, %add3A_81, %lt3A : i32
      %convert_element_type3A_83 = arith.extui %lt3A_82 : i1 to i32
      %cond3A_84 = arith.constant 0 : i32
      %cond3A_85 = arith.cmpi ne, %convert_element_type3A_83, %cond3A_84 : i32
      scf.if %cond3A_85 {
        %sub3A = arith.constant 1 : i32
        %sub3A_128 = arith.subi %add3A_48, %sub3A : i32
        %ge3A = arith.constant 0 : i32
        %ge3A_129 = arith.cmpi sge, %sub3A_128, %ge3A : i32
        %convert_element_type3A_130 = arith.extui %ge3A_129 : i1 to i32
        %cond3A_131 = arith.constant 0 : i32
        %cond3A_132 = arith.cmpi ne, %convert_element_type3A_130, %cond3A_131 : i32
        scf.if %cond3A_132 {
          %dma_wait3A_146 = arith.constant 1 : i32
          %dma_wait3A_147 = arith.constant 0 : i32
          %dma_wait3A_148 = arith.constant 0 : i32
          %dma_wait3A_149 = tpu.memref_slice %arg6[%dma_wait3A_146, %dma_wait3A_147, %dma_wait3A_148] : memref<2x256x128xf32, #tpu.memory_space<vmem>> -> memref<1x256x128xf32, #tpu.memory_space<vmem>>
          %dma_wait3A_150 = tpu.memref_squeeze %dma_wait3A_149 : memref<1x256x128xf32, #tpu.memory_space<vmem>> -> memref<256x128xf32, #tpu.memory_space<vmem>>
          %dma_wait3A_151 = arith.constant 0 : i32
          %dma_wait3A_152 = tpu.memref_slice %arg4[%mul3A_2, %dma_wait3A_151] : memref<327680x128xf32, #tpu.memory_space<hbm>> -> memref<256x128xf32, #tpu.memory_space<hbm>>
          %dma_wait3A_153 = arith.constant 0 : i32
          %dma_wait3A_154 = tpu.memref_slice %arg4[%mul3A_2, %dma_wait3A_153] : memref<327680x128xf32, #tpu.memory_space<hbm>> -> memref<256x128xf32, #tpu.memory_space<hbm>>
          %dma_wait3A_155 = arith.constant 0 : i32
          %dma_wait3A_156 = arith.constant 0 : i32
          %dma_wait3A_157 = tpu.memref_slice %arg6[%dma_wait3A_146, %dma_wait3A_155, %dma_wait3A_156] : memref<2x256x128xf32, #tpu.memory_space<vmem>> -> memref<1x256x128xf32, #tpu.memory_space<vmem>>
          %dma_wait3A_158 = tpu.memref_squeeze %dma_wait3A_157 : memref<1x256x128xf32, #tpu.memory_space<vmem>> -> memref<256x128xf32, #tpu.memory_space<vmem>>
          tpu.wait_dma2 semaphore(%arg11 : memref<!tpu.dma_semaphore, #tpu.memory_space<semaphore_mem>>) src(%dma_wait3A_158 : memref<256x128xf32, #tpu.memory_space<vmem>>) dst(%dma_wait3A_154 : memref<256x128xf32, #tpu.memory_space<hbm>>)
        } else {
        }
        %add3A_133 = arith.constant 1 : i32
        %add3A_134 = arith.addi %add3A_48, %add3A_133 : i32
        %mul3A_135 = arith.constant 256 : i32
        %mul3A_136 = arith.muli %add3A_134, %mul3A_135 : i32
        %dma_start3A_137 = arith.constant 1 : i32
        %dma_start3A_138 = arith.constant 0 : i32
        %dma_start3A_139 = arith.constant 0 : i32
        %dma_start3A_140 = tpu.memref_slice %arg6[%dma_start3A_137, %dma_start3A_138, %dma_start3A_139] : memref<2x256x128xf32, #tpu.memory_space<vmem>> -> memref<1x256x128xf32, #tpu.memory_space<vmem>>
        %dma_start3A_141 = tpu.memref_squeeze %dma_start3A_140 : memref<1x256x128xf32, #tpu.memory_space<vmem>> -> memref<256x128xf32, #tpu.memory_space<vmem>>
        %dma_start3A_142 = tpu.memref_slice %arg5[%mul3A_136] : memref<10240xi32, #tpu.memory_space<vmem>> -> memref<256xi32, #tpu.memory_space<vmem>>
        %dma_start3A_143 = arith.constant 0 : i32
        %dma_start3A_144 = arith.constant 0 : i32
        %dma_start3A_145 = tpu.memref_slice %arg7[%dma_start3A_143, %dma_start3A_144] : memref<1024x128xf32, #tpu.memory_space<vmem_shared>> -> memref<1024x128xf32, #tpu.memory_space<vmem_shared>>
        tpu.enqueue_indirect_dma source(%dma_start3A_145 : memref<1024x128xf32, #tpu.memory_space<vmem_shared>>) target(%dma_start3A_141 : memref<256x128xf32, #tpu.memory_space<vmem>>) offsets(%dma_start3A_142 : memref<256xi32, #tpu.memory_space<vmem>>) semaphore(%arg9 : memref<!tpu.dma_semaphore, #tpu.memory_space<semaphore_mem>>)
      } else {
      }
      %mul3A_86 = arith.constant 2 : i32
      %mul3A_87 = arith.muli %scan3A_44, %mul3A_86 : i32
      %add3A_88 = arith.constant 1 : i32
      %add3A_89 = arith.addi %mul3A_87, %add3A_88 : i32
      %dma_wait3A_90 = arith.constant 1 : i32
      %dma_wait3A_91 = arith.constant 0 : i32
      %dma_wait3A_92 = arith.constant 0 : i32
      %dma_wait3A_93 = tpu.memref_slice %arg6[%dma_wait3A_90, %dma_wait3A_91, %dma_wait3A_92] : memref<2x256x128xf32, #tpu.memory_space<vmem>> -> memref<1x256x128xf32, #tpu.memory_space<vmem>>
      %dma_wait3A_94 = tpu.memref_squeeze %dma_wait3A_93 : memref<1x256x128xf32, #tpu.memory_space<vmem>> -> memref<256x128xf32, #tpu.memory_space<vmem>>
      %dma_wait3A_95 = arith.constant 0 : i32
      %dma_wait3A_96 = arith.constant 0 : i32
      %dma_wait3A_97 = tpu.memref_slice %arg2[%dma_wait3A_95, %dma_wait3A_96] : memref<1024x128xf32, #tpu.memory_space<hbm>> -> memref<256x128xf32, #tpu.memory_space<hbm>>
      %dma_wait3A_98 = arith.constant 0 : i32
      %dma_wait3A_99 = arith.constant 0 : i32
      %dma_wait3A_100 = tpu.memref_slice %arg6[%dma_wait3A_90, %dma_wait3A_98, %dma_wait3A_99] : memref<2x256x128xf32, #tpu.memory_space<vmem>> -> memref<1x256x128xf32, #tpu.memory_space<vmem>>
      %dma_wait3A_101 = tpu.memref_squeeze %dma_wait3A_100 : memref<1x256x128xf32, #tpu.memory_space<vmem>> -> memref<256x128xf32, #tpu.memory_space<vmem>>
      %dma_wait3A_102 = arith.constant 0 : i32
      %dma_wait3A_103 = arith.constant 0 : i32
      %dma_wait3A_104 = tpu.memref_slice %arg2[%dma_wait3A_102, %dma_wait3A_103] : memref<1024x128xf32, #tpu.memory_space<hbm>> -> memref<256x128xf32, #tpu.memory_space<hbm>>
      tpu.wait_dma2 semaphore(%arg9 : memref<!tpu.dma_semaphore, #tpu.memory_space<semaphore_mem>>) src(%dma_wait3A_104 : memref<256x128xf32, #tpu.memory_space<hbm>>) dst(%dma_wait3A_101 : memref<256x128xf32, #tpu.memory_space<vmem>>)
      %mul3A_105 = arith.constant 256 : i32
      %mul3A_106 = arith.muli %add3A_89, %mul3A_105 : i32
      %add3A_107 = arith.addi %mul3A_2, %mul3A_106 : i32
      %dma_start3A_108 = arith.constant 1 : i32
      %dma_start3A_109 = arith.constant 0 : i32
      %dma_start3A_110 = arith.constant 0 : i32
      %dma_start3A_111 = tpu.memref_slice %arg6[%dma_start3A_108, %dma_start3A_109, %dma_start3A_110] : memref<2x256x128xf32, #tpu.memory_space<vmem>> -> memref<1x256x128xf32, #tpu.memory_space<vmem>>
      %dma_start3A_112 = tpu.memref_squeeze %dma_start3A_111 : memref<1x256x128xf32, #tpu.memory_space<vmem>> -> memref<256x128xf32, #tpu.memory_space<vmem>>
      %dma_start3A_113 = arith.constant 0 : i32
      %dma_start3A_114 = tpu.memref_slice %arg4[%add3A_107, %dma_start3A_113] : memref<327680x128xf32, #tpu.memory_space<hbm>> -> memref<256x128xf32, #tpu.memory_space<hbm>>
      %dma_start3A_115 = arith.constant 0 : i32
      %dma_start3A_116 = tpu.memref_slice %arg4[%add3A_107, %dma_start3A_115] : memref<327680x128xf32, #tpu.memory_space<hbm>> -> memref<256x128xf32, #tpu.memory_space<hbm>>
      %dma_start3A_117 = arith.constant 0 : i32
      %dma_start3A_118 = arith.constant 0 : i32
      %dma_start3A_119 = tpu.memref_slice %arg6[%dma_start3A_108, %dma_start3A_117, %dma_start3A_118] : memref<2x256x128xf32, #tpu.memory_space<vmem>> -> memref<1x256x128xf32, #tpu.memory_space<vmem>>
      %dma_start3A_120 = tpu.memref_squeeze %dma_start3A_119 : memref<1x256x128xf32, #tpu.memory_space<vmem>> -> memref<256x128xf32, #tpu.memory_space<vmem>>
      tpu.enqueue_dma source(%dma_start3A_120 : memref<256x128xf32, #tpu.memory_space<vmem>>) target(%dma_start3A_116 : memref<256x128xf32, #tpu.memory_space<hbm>>) target_semaphore(%arg11 : memref<!tpu.dma_semaphore, #tpu.memory_space<semaphore_mem>>)
      %add3A_121 = arith.constant 1 : i32
      %add3A_122 = arith.addi %add3A_89, %add3A_121 : i32
      %lt3A_123 = arith.constant 40 : i32
      %lt3A_124 = arith.cmpi slt, %add3A_122, %lt3A_123 : i32
      %convert_element_type3A_125 = arith.extui %lt3A_124 : i1 to i32
      %cond3A_126 = arith.constant 0 : i32
      %cond3A_127 = arith.cmpi ne, %convert_element_type3A_125, %cond3A_126 : i32
      scf.if %cond3A_127 {
        %sub3A = arith.constant 1 : i32
        %sub3A_128 = arith.subi %add3A_89, %sub3A : i32
        %ge3A = arith.constant 0 : i32
        %ge3A_129 = arith.cmpi sge, %sub3A_128, %ge3A : i32
        %convert_element_type3A_130 = arith.extui %ge3A_129 : i1 to i32
        %cond3A_131 = arith.constant 0 : i32
        %cond3A_132 = arith.cmpi ne, %convert_element_type3A_130, %cond3A_131 : i32
        scf.if %cond3A_132 {
          %dma_wait3A_146 = arith.constant 0 : i32
          %dma_wait3A_147 = arith.constant 0 : i32
          %dma_wait3A_148 = arith.constant 0 : i32
          %dma_wait3A_149 = tpu.memref_slice %arg6[%dma_wait3A_146, %dma_wait3A_147, %dma_wait3A_148] : memref<2x256x128xf32, #tpu.memory_space<vmem>> -> memref<1x256x128xf32, #tpu.memory_space<vmem>>
          %dma_wait3A_150 = tpu.memref_squeeze %dma_wait3A_149 : memref<1x256x128xf32, #tpu.memory_space<vmem>> -> memref<256x128xf32, #tpu.memory_space<vmem>>
          %dma_wait3A_151 = arith.constant 0 : i32
          %dma_wait3A_152 = tpu.memref_slice %arg4[%mul3A_2, %dma_wait3A_151] : memref<327680x128xf32, #tpu.memory_space<hbm>> -> memref<256x128xf32, #tpu.memory_space<hbm>>
          %dma_wait3A_153 = arith.constant 0 : i32
          %dma_wait3A_154 = tpu.memref_slice %arg4[%mul3A_2, %dma_wait3A_153] : memref<327680x128xf32, #tpu.memory_space<hbm>> -> memref<256x128xf32, #tpu.memory_space<hbm>>
          %dma_wait3A_155 = arith.constant 0 : i32
          %dma_wait3A_156 = arith.constant 0 : i32
          %dma_wait3A_157 = tpu.memref_slice %arg6[%dma_wait3A_146, %dma_wait3A_155, %dma_wait3A_156] : memref<2x256x128xf32, #tpu.memory_space<vmem>> -> memref<1x256x128xf32, #tpu.memory_space<vmem>>
          %dma_wait3A_158 = tpu.memref_squeeze %dma_wait3A_157 : memref<1x256x128xf32, #tpu.memory_space<vmem>> -> memref<256x128xf32, #tpu.memory_space<vmem>>
          tpu.wait_dma2 semaphore(%arg10 : memref<!tpu.dma_semaphore, #tpu.memory_space<semaphore_mem>>) src(%dma_wait3A_158 : memref<256x128xf32, #tpu.memory_space<vmem>>) dst(%dma_wait3A_154 : memref<256x128xf32, #tpu.memory_space<hbm>>)
        } else {
        }
        %add3A_133 = arith.constant 1 : i32
        %add3A_134 = arith.addi %add3A_89, %add3A_133 : i32
        %mul3A_135 = arith.constant 256 : i32
        %mul3A_136 = arith.muli %add3A_134, %mul3A_135 : i32
        %dma_start3A_137 = arith.constant 0 : i32
        %dma_start3A_138 = arith.constant 0 : i32
        %dma_start3A_139 = arith.constant 0 : i32
        %dma_start3A_140 = tpu.memref_slice %arg6[%dma_start3A_137, %dma_start3A_138, %dma_start3A_139] : memref<2x256x128xf32, #tpu.memory_space<vmem>> -> memref<1x256x128xf32, #tpu.memory_space<vmem>>
        %dma_start3A_141 = tpu.memref_squeeze %dma_start3A_140 : memref<1x256x128xf32, #tpu.memory_space<vmem>> -> memref<256x128xf32, #tpu.memory_space<vmem>>
        %dma_start3A_142 = tpu.memref_slice %arg5[%mul3A_136] : memref<10240xi32, #tpu.memory_space<vmem>> -> memref<256xi32, #tpu.memory_space<vmem>>
        %dma_start3A_143 = arith.constant 0 : i32
        %dma_start3A_144 = arith.constant 0 : i32
        %dma_start3A_145 = tpu.memref_slice %arg7[%dma_start3A_143, %dma_start3A_144] : memref<1024x128xf32, #tpu.memory_space<vmem_shared>> -> memref<1024x128xf32, #tpu.memory_space<vmem_shared>>
        tpu.enqueue_indirect_dma source(%dma_start3A_145 : memref<1024x128xf32, #tpu.memory_space<vmem_shared>>) target(%dma_start3A_141 : memref<256x128xf32, #tpu.memory_space<vmem>>) offsets(%dma_start3A_142 : memref<256xi32, #tpu.memory_space<vmem>>) semaphore(%arg8 : memref<!tpu.dma_semaphore, #tpu.memory_space<semaphore_mem>>)
      } else {
      }
    }
    %scan3A_18 = arith.constant 20 : i32
    %dma_wait3A = arith.constant 0 : i32
    %dma_wait3A_19 = arith.constant 0 : i32
    %dma_wait3A_20 = arith.constant 0 : i32
    %dma_wait3A_21 = tpu.memref_slice %arg6[%dma_wait3A, %dma_wait3A_19, %dma_wait3A_20] : memref<2x256x128xf32, #tpu.memory_space<vmem>> -> memref<1x256x128xf32, #tpu.memory_space<vmem>>
    %dma_wait3A_22 = tpu.memref_squeeze %dma_wait3A_21 : memref<1x256x128xf32, #tpu.memory_space<vmem>> -> memref<256x128xf32, #tpu.memory_space<vmem>>
    %dma_wait3A_23 = arith.constant 0 : i32
    %dma_wait3A_24 = tpu.memref_slice %arg4[%mul3A_2, %dma_wait3A_23] : memref<327680x128xf32, #tpu.memory_space<hbm>> -> memref<256x128xf32, #tpu.memory_space<hbm>>
    %dma_wait3A_25 = arith.constant 0 : i32
    %dma_wait3A_26 = tpu.memref_slice %arg4[%mul3A_2, %dma_wait3A_25] : memref<327680x128xf32, #tpu.memory_space<hbm>> -> memref<256x128xf32, #tpu.memory_space<hbm>>
    %dma_wait3A_27 = arith.constant 0 : i32
    %dma_wait3A_28 = arith.constant 0 : i32
    %dma_wait3A_29 = tpu.memref_slice %arg6[%dma_wait3A, %dma_wait3A_27, %dma_wait3A_28] : memref<2x256x128xf32, #tpu.memory_space<vmem>> -> memref<1x256x128xf32, #tpu.memory_space<vmem>>
    %dma_wait3A_30 = tpu.memref_squeeze %dma_wait3A_29 : memref<1x256x128xf32, #tpu.memory_space<vmem>> -> memref<256x128xf32, #tpu.memory_space<vmem>>
    tpu.wait_dma2 semaphore(%arg10 : memref<!tpu.dma_semaphore, #tpu.memory_space<semaphore_mem>>) src(%dma_wait3A_30 : memref<256x128xf32, #tpu.memory_space<vmem>>) dst(%dma_wait3A_26 : memref<256x128xf32, #tpu.memory_space<hbm>>)
    %dma_wait3A_31 = arith.constant 1 : i32
    %dma_wait3A_32 = arith.constant 0 : i32
    %dma_wait3A_33 = arith.constant 0 : i32
    %dma_wait3A_34 = tpu.memref_slice %arg6[%dma_wait3A_31, %dma_wait3A_32, %dma_wait3A_33] : memref<2x256x128xf32, #tpu.memory_space<vmem>> -> memref<1x256x128xf32, #tpu.memory_space<vmem>>
    %dma_wait3A_35 = tpu.memref_squeeze %dma_wait3A_34 : memref<1x256x128xf32, #tpu.memory_space<vmem>> -> memref<256x128xf32, #tpu.memory_space<vmem>>
    %dma_wait3A_36 = arith.constant 0 : i32
    %dma_wait3A_37 = tpu.memref_slice %arg4[%mul3A_2, %dma_wait3A_36] : memref<327680x128xf32, #tpu.memory_space<hbm>> -> memref<256x128xf32, #tpu.memory_space<hbm>>
    %dma_wait3A_38 = arith.constant 0 : i32
    %dma_wait3A_39 = tpu.memref_slice %arg4[%mul3A_2, %dma_wait3A_38] : memref<327680x128xf32, #tpu.memory_space<hbm>> -> memref<256x128xf32, #tpu.memory_space<hbm>>
    %dma_wait3A_40 = arith.constant 0 : i32
    %dma_wait3A_41 = arith.constant 0 : i32
    %dma_wait3A_42 = tpu.memref_slice %arg6[%dma_wait3A_31, %dma_wait3A_40, %dma_wait3A_41] : memref<2x256x128xf32, #tpu.memory_space<vmem>> -> memref<1x256x128xf32, #tpu.memory_space<vmem>>
    %dma_wait3A_43 = tpu.memref_squeeze %dma_wait3A_42 : memref<1x256x128xf32, #tpu.memory_space<vmem>> -> memref<256x128xf32, #tpu.memory_space<vmem>>
    tpu.wait_dma2 semaphore(%arg11 : memref<!tpu.dma_semaphore, #tpu.memory_space<semaphore_mem>>) src(%dma_wait3A_43 : memref<256x128xf32, #tpu.memory_space<vmem>>) dst(%dma_wait3A_39 : memref<256x128xf32, #tpu.memory_space<hbm>>)
    return
  }
}

module attributes {stable_mosaic.version = 14 : i64} {
  func.func @_table_body(%arg0: memref<2x128x128xf32, #tpu.memory_space<vmem>>, %arg1: memref<1x128xf32, #tpu.memory_space<vmem>>, %arg2: memref<1024x128xf32, #tpu.memory_space<vmem>>) attributes {dimension_semantics = [], scalar_prefetch = 0 : i64, scratch_operands = 0 : i64, tpu.core_type = #tpu.core_type<tc>} {
    %get3A = arith.constant 0 : index
    %get3A_0 = arith.constant 0 : index
    %get3A_1 = arith.constant 0 : index
    %get3A_2 = vector.load %arg0[%get3A, %get3A_0, %get3A_1] : memref<2x128x128xf32, #tpu.memory_space<vmem>>, vector<1x128x128xf32>
    %get3A_3 = vector.shape_cast %get3A_2 : vector<1x128x128xf32> to vector<128x128xf32>
    %get3A_4 = arith.constant 1 : index
    %get3A_5 = arith.constant 0 : index
    %get3A_6 = arith.constant 0 : index
    %get3A_7 = vector.load %arg0[%get3A_4, %get3A_5, %get3A_6] : memref<2x128x128xf32, #tpu.memory_space<vmem>>, vector<1x128x128xf32>
    %get3A_8 = vector.shape_cast %get3A_7 : vector<1x128x128xf32> to vector<128x128xf32>
    %get3A_9 = arith.constant 0 : index
    %get3A_10 = arith.constant 0 : index
    %get3A_11 = vector.load %arg1[%get3A_9, %get3A_10] : memref<1x128xf32, #tpu.memory_space<vmem>>, vector<1x128xf32>
    %swap3A = arith.constant 0 : index
    %swap3A_12 = arith.constant 0 : index
    %swap3A_13 = vector.load %arg2[%swap3A, %swap3A_12] : memref<1024x128xf32, #tpu.memory_space<vmem>>, vector<1x128xf32>
    tpu.vector_store %arg2[%swap3A, %swap3A_12], %get3A_11 {strides = array<i32>} : memref<1024x128xf32, #tpu.memory_space<vmem>>, vector<1x128xf32>,
    %get3A_14 = arith.constant 0 : index
    %get3A_15 = arith.constant 0 : index
    %get3A_16 = vector.load %arg2[%get3A_14, %get3A_15] : memref<1024x128xf32, #tpu.memory_space<vmem>>, vector<1x128xf32>
    %dot_general3A = arith.constant dense<0.000000e+00> : vector<1x128xf32>
    %dot_general3A_17 = tpu.matmul %get3A_16, %get3A_3, %dot_general3A {dimension_numbers = #tpu.dot_dimension_numbers<[1], [1], [0], [0], [0, 0, 1, 0], [], []>, transpose_lhs_hint = false} : vector<1x128xf32>, vector<128x128xf32>, vector<1x128xf32> -> vector<1x128xf32>
    %swap3A_18 = arith.constant 1 : index
    %swap3A_19 = arith.constant 0 : index
    %swap3A_20 = vector.load %arg2[%swap3A_18, %swap3A_19] : memref<1024x128xf32, #tpu.memory_space<vmem>>, vector<1x128xf32>
    tpu.vector_store %arg2[%swap3A_18, %swap3A_19], %dot_general3A_17 {strides = array<i32>} : memref<1024x128xf32, #tpu.memory_space<vmem>>, vector<1x128xf32>,
    %dot_general3A_21 = arith.constant dense<0.000000e+00> : vector<1x128xf32>
    %dot_general3A_22 = tpu.matmul %get3A_16, %get3A_8, %dot_general3A_21 {dimension_numbers = #tpu.dot_dimension_numbers<[1], [1], [0], [0], [0, 0, 1, 0], [], []>, transpose_lhs_hint = false} : vector<1x128xf32>, vector<128x128xf32>, vector<1x128xf32> -> vector<1x128xf32>
    %swap3A_23 = arith.constant 2 : index
    %swap3A_24 = arith.constant 0 : index
    %swap3A_25 = vector.load %arg2[%swap3A_23, %swap3A_24] : memref<1024x128xf32, #tpu.memory_space<vmem>>, vector<1x128xf32>
    tpu.vector_store %arg2[%swap3A_23, %swap3A_24], %dot_general3A_22 {strides = array<i32>} : memref<1024x128xf32, #tpu.memory_space<vmem>>, vector<1x128xf32>,
    %get3A_26 = arith.constant 1 : index
    %get3A_27 = arith.constant 0 : index
    %get3A_28 = vector.load %arg2[%get3A_26, %get3A_27] : memref<1024x128xf32, #tpu.memory_space<vmem>>, vector<2x128xf32>
    %dot_general3A_29 = arith.constant dense<0.000000e+00> : vector<2x128xf32>
    %dot_general3A_30 = tpu.matmul %get3A_28, %get3A_3, %dot_general3A_29 {dimension_numbers = #tpu.dot_dimension_numbers<[1], [1], [0], [0], [0, 0, 1, 0], [], []>, transpose_lhs_hint = false} : vector<2x128xf32>, vector<128x128xf32>, vector<2x128xf32> -> vector<2x128xf32>
    %swap3A_31 = arith.constant 3 : index
    %swap3A_32 = arith.constant 0 : index
    %swap3A_33 = vector.load %arg2[%swap3A_31, %swap3A_32] : memref<1024x128xf32, #tpu.memory_space<vmem>>, vector<2x128xf32>
    tpu.vector_store %arg2[%swap3A_31, %swap3A_32], %dot_general3A_30 {strides = array<i32>} : memref<1024x128xf32, #tpu.memory_space<vmem>>, vector<2x128xf32>,
    %dot_general3A_34 = arith.constant dense<0.000000e+00> : vector<2x128xf32>
    %dot_general3A_35 = tpu.matmul %get3A_28, %get3A_8, %dot_general3A_34 {dimension_numbers = #tpu.dot_dimension_numbers<[1], [1], [0], [0], [0, 0, 1, 0], [], []>, transpose_lhs_hint = false} : vector<2x128xf32>, vector<128x128xf32>, vector<2x128xf32> -> vector<2x128xf32>
    %swap3A_36 = arith.constant 5 : index
    %swap3A_37 = arith.constant 0 : index
    %swap3A_38 = vector.load %arg2[%swap3A_36, %swap3A_37] : memref<1024x128xf32, #tpu.memory_space<vmem>>, vector<2x128xf32>
    tpu.vector_store %arg2[%swap3A_36, %swap3A_37], %dot_general3A_35 {strides = array<i32>} : memref<1024x128xf32, #tpu.memory_space<vmem>>, vector<2x128xf32>,
    %get3A_39 = arith.constant 3 : index
    %get3A_40 = arith.constant 0 : index
    %get3A_41 = vector.load %arg2[%get3A_39, %get3A_40] : memref<1024x128xf32, #tpu.memory_space<vmem>>, vector<4x128xf32>
    %dot_general3A_42 = arith.constant dense<0.000000e+00> : vector<4x128xf32>
    %dot_general3A_43 = tpu.matmul %get3A_41, %get3A_3, %dot_general3A_42 {dimension_numbers = #tpu.dot_dimension_numbers<[1], [1], [0], [0], [0, 0, 1, 0], [], []>, transpose_lhs_hint = false} : vector<4x128xf32>, vector<128x128xf32>, vector<4x128xf32> -> vector<4x128xf32>
    %swap3A_44 = arith.constant 7 : index
    %swap3A_45 = arith.constant 0 : index
    %swap3A_46 = vector.load %arg2[%swap3A_44, %swap3A_45] : memref<1024x128xf32, #tpu.memory_space<vmem>>, vector<4x128xf32>
    tpu.vector_store %arg2[%swap3A_44, %swap3A_45], %dot_general3A_43 {strides = array<i32>} : memref<1024x128xf32, #tpu.memory_space<vmem>>, vector<4x128xf32>,
    %dot_general3A_47 = arith.constant dense<0.000000e+00> : vector<4x128xf32>
    %dot_general3A_48 = tpu.matmul %get3A_41, %get3A_8, %dot_general3A_47 {dimension_numbers = #tpu.dot_dimension_numbers<[1], [1], [0], [0], [0, 0, 1, 0], [], []>, transpose_lhs_hint = false} : vector<4x128xf32>, vector<128x128xf32>, vector<4x128xf32> -> vector<4x128xf32>
    %swap3A_49 = arith.constant 11 : index
    %swap3A_50 = arith.constant 0 : index
    %swap3A_51 = vector.load %arg2[%swap3A_49, %swap3A_50] : memref<1024x128xf32, #tpu.memory_space<vmem>>, vector<4x128xf32>
    tpu.vector_store %arg2[%swap3A_49, %swap3A_50], %dot_general3A_48 {strides = array<i32>} : memref<1024x128xf32, #tpu.memory_space<vmem>>, vector<4x128xf32>,
    %get3A_52 = arith.constant 7 : index
    %get3A_53 = arith.constant 0 : index
    %get3A_54 = vector.load %arg2[%get3A_52, %get3A_53] : memref<1024x128xf32, #tpu.memory_space<vmem>>, vector<8x128xf32>
    %dot_general3A_55 = arith.constant dense<0.000000e+00> : vector<8x128xf32>
    %dot_general3A_56 = tpu.matmul %get3A_54, %get3A_3, %dot_general3A_55 {dimension_numbers = #tpu.dot_dimension_numbers<[1], [1], [0], [0], [0, 0, 1, 0], [], []>, transpose_lhs_hint = false} : vector<8x128xf32>, vector<128x128xf32>, vector<8x128xf32> -> vector<8x128xf32>
    %swap3A_57 = arith.constant 15 : index
    %swap3A_58 = arith.constant 0 : index
    %swap3A_59 = vector.load %arg2[%swap3A_57, %swap3A_58] : memref<1024x128xf32, #tpu.memory_space<vmem>>, vector<8x128xf32>
    tpu.vector_store %arg2[%swap3A_57, %swap3A_58], %dot_general3A_56 {strides = array<i32>} : memref<1024x128xf32, #tpu.memory_space<vmem>>, vector<8x128xf32>,
    %dot_general3A_60 = arith.constant dense<0.000000e+00> : vector<8x128xf32>
    %dot_general3A_61 = tpu.matmul %get3A_54, %get3A_8, %dot_general3A_60 {dimension_numbers = #tpu.dot_dimension_numbers<[1], [1], [0], [0], [0, 0, 1, 0], [], []>, transpose_lhs_hint = false} : vector<8x128xf32>, vector<128x128xf32>, vector<8x128xf32> -> vector<8x128xf32>
    %swap3A_62 = arith.constant 23 : index
    %swap3A_63 = arith.constant 0 : index
    %swap3A_64 = vector.load %arg2[%swap3A_62, %swap3A_63] : memref<1024x128xf32, #tpu.memory_space<vmem>>, vector<8x128xf32>
    tpu.vector_store %arg2[%swap3A_62, %swap3A_63], %dot_general3A_61 {strides = array<i32>} : memref<1024x128xf32, #tpu.memory_space<vmem>>, vector<8x128xf32>,
    %get3A_65 = arith.constant 15 : index
    %get3A_66 = arith.constant 0 : index
    %get3A_67 = vector.load %arg2[%get3A_65, %get3A_66] : memref<1024x128xf32, #tpu.memory_space<vmem>>, vector<16x128xf32>
    %dot_general3A_68 = arith.constant dense<0.000000e+00> : vector<16x128xf32>
    %dot_general3A_69 = tpu.matmul %get3A_67, %get3A_3, %dot_general3A_68 {dimension_numbers = #tpu.dot_dimension_numbers<[1], [1], [0], [0], [0, 0, 1, 0], [], []>, transpose_lhs_hint = false} : vector<16x128xf32>, vector<128x128xf32>, vector<16x128xf32> -> vector<16x128xf32>
    %swap3A_70 = arith.constant 31 : index
    %swap3A_71 = arith.constant 0 : index
    %swap3A_72 = vector.load %arg2[%swap3A_70, %swap3A_71] : memref<1024x128xf32, #tpu.memory_space<vmem>>, vector<16x128xf32>
    tpu.vector_store %arg2[%swap3A_70, %swap3A_71], %dot_general3A_69 {strides = array<i32>} : memref<1024x128xf32, #tpu.memory_space<vmem>>, vector<16x128xf32>,
    %dot_general3A_73 = arith.constant dense<0.000000e+00> : vector<16x128xf32>
    %dot_general3A_74 = tpu.matmul %get3A_67, %get3A_8, %dot_general3A_73 {dimension_numbers = #tpu.dot_dimension_numbers<[1], [1], [0], [0], [0, 0, 1, 0], [], []>, transpose_lhs_hint = false} : vector<16x128xf32>, vector<128x128xf32>, vector<16x128xf32> -> vector<16x128xf32>
    %swap3A_75 = arith.constant 47 : index
    %swap3A_76 = arith.constant 0 : index
    %swap3A_77 = vector.load %arg2[%swap3A_75, %swap3A_76] : memref<1024x128xf32, #tpu.memory_space<vmem>>, vector<16x128xf32>
    tpu.vector_store %arg2[%swap3A_75, %swap3A_76], %dot_general3A_74 {strides = array<i32>} : memref<1024x128xf32, #tpu.memory_space<vmem>>, vector<16x128xf32>,
    %get3A_78 = arith.constant 31 : index
    %get3A_79 = arith.constant 0 : index
    %get3A_80 = vector.load %arg2[%get3A_78, %get3A_79] : memref<1024x128xf32, #tpu.memory_space<vmem>>, vector<32x128xf32>
    %dot_general3A_81 = arith.constant dense<0.000000e+00> : vector<32x128xf32>
    %dot_general3A_82 = tpu.matmul %get3A_80, %get3A_3, %dot_general3A_81 {dimension_numbers = #tpu.dot_dimension_numbers<[1], [1], [0], [0], [0, 0, 1, 0], [], []>, transpose_lhs_hint = false} : vector<32x128xf32>, vector<128x128xf32>, vector<32x128xf32> -> vector<32x128xf32>
    %swap3A_83 = arith.constant 63 : index
    %swap3A_84 = arith.constant 0 : index
    %swap3A_85 = vector.load %arg2[%swap3A_83, %swap3A_84] : memref<1024x128xf32, #tpu.memory_space<vmem>>, vector<32x128xf32>
    tpu.vector_store %arg2[%swap3A_83, %swap3A_84], %dot_general3A_82 {strides = array<i32>} : memref<1024x128xf32, #tpu.memory_space<vmem>>, vector<32x128xf32>,
    %dot_general3A_86 = arith.constant dense<0.000000e+00> : vector<32x128xf32>
    %dot_general3A_87 = tpu.matmul %get3A_80, %get3A_8, %dot_general3A_86 {dimension_numbers = #tpu.dot_dimension_numbers<[1], [1], [0], [0], [0, 0, 1, 0], [], []>, transpose_lhs_hint = false} : vector<32x128xf32>, vector<128x128xf32>, vector<32x128xf32> -> vector<32x128xf32>
    %swap3A_88 = arith.constant 95 : index
    %swap3A_89 = arith.constant 0 : index
    %swap3A_90 = vector.load %arg2[%swap3A_88, %swap3A_89] : memref<1024x128xf32, #tpu.memory_space<vmem>>, vector<32x128xf32>
    tpu.vector_store %arg2[%swap3A_88, %swap3A_89], %dot_general3A_87 {strides = array<i32>} : memref<1024x128xf32, #tpu.memory_space<vmem>>, vector<32x128xf32>,
    %get3A_91 = arith.constant 63 : index
    %get3A_92 = arith.constant 0 : index
    %get3A_93 = vector.load %arg2[%get3A_91, %get3A_92] : memref<1024x128xf32, #tpu.memory_space<vmem>>, vector<64x128xf32>
    %dot_general3A_94 = arith.constant dense<0.000000e+00> : vector<64x128xf32>
    %dot_general3A_95 = tpu.matmul %get3A_93, %get3A_3, %dot_general3A_94 {dimension_numbers = #tpu.dot_dimension_numbers<[1], [1], [0], [0], [0, 0, 1, 0], [], []>, transpose_lhs_hint = false} : vector<64x128xf32>, vector<128x128xf32>, vector<64x128xf32> -> vector<64x128xf32>
    %swap3A_96 = arith.constant 127 : index
    %swap3A_97 = arith.constant 0 : index
    %swap3A_98 = vector.load %arg2[%swap3A_96, %swap3A_97] : memref<1024x128xf32, #tpu.memory_space<vmem>>, vector<64x128xf32>
    tpu.vector_store %arg2[%swap3A_96, %swap3A_97], %dot_general3A_95 {strides = array<i32>} : memref<1024x128xf32, #tpu.memory_space<vmem>>, vector<64x128xf32>,
    %dot_general3A_99 = arith.constant dense<0.000000e+00> : vector<64x128xf32>
    %dot_general3A_100 = tpu.matmul %get3A_93, %get3A_8, %dot_general3A_99 {dimension_numbers = #tpu.dot_dimension_numbers<[1], [1], [0], [0], [0, 0, 1, 0], [], []>, transpose_lhs_hint = false} : vector<64x128xf32>, vector<128x128xf32>, vector<64x128xf32> -> vector<64x128xf32>
    %swap3A_101 = arith.constant 191 : index
    %swap3A_102 = arith.constant 0 : index
    %swap3A_103 = vector.load %arg2[%swap3A_101, %swap3A_102] : memref<1024x128xf32, #tpu.memory_space<vmem>>, vector<64x128xf32>
    tpu.vector_store %arg2[%swap3A_101, %swap3A_102], %dot_general3A_100 {strides = array<i32>} : memref<1024x128xf32, #tpu.memory_space<vmem>>, vector<64x128xf32>,
    %get3A_104 = arith.constant 127 : index
    %get3A_105 = arith.constant 0 : index
    %get3A_106 = vector.load %arg2[%get3A_104, %get3A_105] : memref<1024x128xf32, #tpu.memory_space<vmem>>, vector<128x128xf32>
    %dot_general3A_107 = arith.constant dense<0.000000e+00> : vector<128x128xf32>
    %dot_general3A_108 = tpu.matmul %get3A_106, %get3A_3, %dot_general3A_107 {dimension_numbers = #tpu.dot_dimension_numbers<[1], [1], [0], [0], [0, 0, 1, 0], [], []>, transpose_lhs_hint = false} : vector<128x128xf32>, vector<128x128xf32>, vector<128x128xf32> -> vector<128x128xf32>
    %swap3A_109 = arith.constant 255 : index
    %swap3A_110 = arith.constant 0 : index
    %swap3A_111 = vector.load %arg2[%swap3A_109, %swap3A_110] : memref<1024x128xf32, #tpu.memory_space<vmem>>, vector<128x128xf32>
    tpu.vector_store %arg2[%swap3A_109, %swap3A_110], %dot_general3A_108 {strides = array<i32>} : memref<1024x128xf32, #tpu.memory_space<vmem>>, vector<128x128xf32>,
    %dot_general3A_112 = arith.constant dense<0.000000e+00> : vector<128x128xf32>
    %dot_general3A_113 = tpu.matmul %get3A_106, %get3A_8, %dot_general3A_112 {dimension_numbers = #tpu.dot_dimension_numbers<[1], [1], [0], [0], [0, 0, 1, 0], [], []>, transpose_lhs_hint = false} : vector<128x128xf32>, vector<128x128xf32>, vector<128x128xf32> -> vector<128x128xf32>
    %swap3A_114 = arith.constant 383 : index
    %swap3A_115 = arith.constant 0 : index
    %swap3A_116 = vector.load %arg2[%swap3A_114, %swap3A_115] : memref<1024x128xf32, #tpu.memory_space<vmem>>, vector<128x128xf32>
    tpu.vector_store %arg2[%swap3A_114, %swap3A_115], %dot_general3A_113 {strides = array<i32>} : memref<1024x128xf32, #tpu.memory_space<vmem>>, vector<128x128xf32>,
    %get3A_117 = arith.constant 255 : index
    %get3A_118 = arith.constant 0 : index
    %get3A_119 = vector.load %arg2[%get3A_117, %get3A_118] : memref<1024x128xf32, #tpu.memory_space<vmem>>, vector<256x128xf32>
    %dot_general3A_120 = arith.constant dense<0.000000e+00> : vector<256x128xf32>
    %dot_general3A_121 = tpu.matmul %get3A_119, %get3A_3, %dot_general3A_120 {dimension_numbers = #tpu.dot_dimension_numbers<[1], [1], [0], [0], [0, 0, 1, 0], [], []>, transpose_lhs_hint = false} : vector<256x128xf32>, vector<128x128xf32>, vector<256x128xf32> -> vector<256x128xf32>
    %swap3A_122 = arith.constant 511 : index
    %swap3A_123 = arith.constant 0 : index
    %swap3A_124 = vector.load %arg2[%swap3A_122, %swap3A_123] : memref<1024x128xf32, #tpu.memory_space<vmem>>, vector<256x128xf32>
    tpu.vector_store %arg2[%swap3A_122, %swap3A_123], %dot_general3A_121 {strides = array<i32>} : memref<1024x128xf32, #tpu.memory_space<vmem>>, vector<256x128xf32>,
    %dot_general3A_125 = arith.constant dense<0.000000e+00> : vector<256x128xf32>
    %dot_general3A_126 = tpu.matmul %get3A_119, %get3A_8, %dot_general3A_125 {dimension_numbers = #tpu.dot_dimension_numbers<[1], [1], [0], [0], [0, 0, 1, 0], [], []>, transpose_lhs_hint = false} : vector<256x128xf32>, vector<128x128xf32>, vector<256x128xf32> -> vector<256x128xf32>
    %swap3A_127 = arith.constant 767 : index
    %swap3A_128 = arith.constant 0 : index
    %swap3A_129 = vector.load %arg2[%swap3A_127, %swap3A_128] : memref<1024x128xf32, #tpu.memory_space<vmem>>, vector<256x128xf32>
    tpu.vector_store %arg2[%swap3A_127, %swap3A_128], %dot_general3A_126 {strides = array<i32>} : memref<1024x128xf32, #tpu.memory_space<vmem>>, vector<256x128xf32>,
    %get3A_130 = arith.constant 511 : index
    %get3A_131 = arith.constant 0 : index
    %get3A_132 = vector.load %arg2[%get3A_130, %get3A_131] : memref<1024x128xf32, #tpu.memory_space<vmem>>, vector<1x128xf32>
    %dot_general3A_133 = arith.constant dense<0.000000e+00> : vector<1x128xf32>
    %dot_general3A_134 = tpu.matmul %get3A_132, %get3A_3, %dot_general3A_133 {dimension_numbers = #tpu.dot_dimension_numbers<[1], [1], [0], [0], [0, 0, 1, 0], [], []>, transpose_lhs_hint = false} : vector<1x128xf32>, vector<128x128xf32>, vector<1x128xf32> -> vector<1x128xf32>
    %swap3A_135 = arith.constant 1023 : index
    %swap3A_136 = arith.constant 0 : index
    %swap3A_137 = vector.load %arg2[%swap3A_135, %swap3A_136] : memref<1024x128xf32, #tpu.memory_space<vmem>>, vector<1x128xf32>
    tpu.vector_store %arg2[%swap3A_135, %swap3A_136], %dot_general3A_134 {strides = array<i32>} : memref<1024x128xf32, #tpu.memory_space<vmem>>, vector<1x128xf32>,
    return
  }
}

</mosaic_0001>

<sc_bundles>
// kernel: kernel.4.cloned.1.call-start
scs
__scs_entry_jumppad:
0x0: {  	(pc) =	sbr.rel $0x88, $3  }
0x1: {  	(tag) =	ssettag $0x0;
	lr =	simm.s32 $0x1  }
0x2: {  	[smem:$0x3F9E] =	sst lr;
	_ =	strace $0xD0000000  }
0x3: {  	_ = 	snop  }
0x4: {  	_ = 	snop  }
0x5: {  	_ = 	snop  }
0x6: {  	_ = 	snop  }
0x7: {  	_ = 	snop  }
__scs_overlays_trampoline_lowered:
0x8: {  	[smem:$0x3FAD] =	sst s0  }
0x9: {  	[smem:$0x3FAE] =	sst s1  }
0xa: {  	[smem:$0x3FAF] =	sst s2  }
0xb: {  	[smem:$0x3FB0] =	sst s3  }
0xc: {  	[smem:$0x3FB1] =	sst s4  }
0xd: {  	[smem:$0x3FB2] =	sst s5  }
0xe: {  	[smem:$0x3FB3] =	sst s6  }
0xf: {  	[smem:$0x3FB4] =	sst s7  }
0x10: {  	[smem:$0x3FB5] =	sst s8  }
0x11: {  	[smem:$0x3FB6] =	sst s9;
	s0 =	simm.s32 @!p0 $0x0  }
0x12: {  	s1 =	sld [smem:$0x3F9C];
	s0 =	simm.s32 @p0 $0x1  }
0x13: {  	[smem:$0x3FB7] =	sst s0;
	s0 =	simm.s32 @!p1 $0x0  }
0x14: {  	s2 =	sld [smem:$0x3F9B];
	s0 =	simm.s32 @p1 $0x1  }
0x15: {  	[smem:$0x3FB8] =	sst s0;
	s0 =	simm.s32 @!p2 $0x0  }
0x16: {  	s3 =	sld [smem:$0x3FDB];
	s0 =	simm.s32 @p2 $0x1  }
0x17: {  	s4 =	simm.s32 $0x1BF5;
	[smem:$0x3FBA] =	sst s0  }
0x18: {  	s0 =	sld [smem:$0x3F9D];
	_ =	swait.ge [sflag:s4], $0x0  }
0x19: {  	s7 =	sld [smem:$0x3F9E]  }
0x1a: {  	s8 =	sadd.s32 $0xFFFFE003, lr  }
0x1b: {  	s9 =	sadd.s32 $0xFFFFFEF7, lr;
	s5 =	simm.s32 $0xFFFFFFFF;
	p2 =	slt.u32 s8, $0xFFFFF086  }
0x1c: {  	p1 =	slt.u32 s9, $0xF7A;
	s5 =	simm.s32 @!p2 $0x0  }
0x1d: {  	s5 =	simm.s32 @p1 $0x1;
	p0 =	seq.s32 s7, s2  }
0x1e: {  	s7 =	smul.u32 @!p0 $0xF7A, s2;
	p2 =	seq.s32 @!p0 s5, $0x0  }
0x1f: {  	s9 =	smul.u32 $0xF7A, s1;
	s8 =	simm.s32 @!p0 $0x1BF5;
	p2 =	por !p2, p0  }
0x20: {  	[sflag:s8] =	ssyncset.s32 @!p0 $0xFFFFF086;
	s6 =	sadd.s32 @!p0 s3, s7;
	s7 =	simm.s32 @!p0 $0x108  }
0x21: {  	s3 =	sadd.s32 s3, s9;
	s6 =	sadd.s32 @!p0 $0x88, s6;
	s7 =	simm.s32 @p2 $0x1082  }
0x22: {  	[simem:s7], [sflag:s8] =	dma.local @!p0 [hbm:s6], $0xF7A  }
0x23: {  	s9 =	sor.u32 $0xD0000000, s2;
	s6 =	simm.s32 $0x108;
	_ =	swait.ge @!p0 [sflag:s8], $0x0  }
0x24: {  	s3 =	sadd.s32 $0x88, s3;
	s6 =	simm.s32 @!p1 $0x1082;
	[sflag:s4] =	ssyncset.s32 $0xFFFFF086  }
0x25: {  	[simem:s6], [sflag:s4] =	dma.local [hbm:s3], $0xF7A  }
0x26: {  	[smem:$0x3F9E] =	sst s1;
	(tag) =	ssettag s2;
	_ =	strace s9  }
0x27: {  	s1 =	sld [smem:$0x3FAE]  }
0x28: {  	s2 =	sld [smem:$0x3FAF]  }
0x29: {  	s4 =	sld [smem:$0x3FB1]  }
0x2a: {  	p0 =	seq.s32 s5, $0x0;
	s5 =	sld [smem:$0x3FB2]  }
0x2b: {  	s6 =	sld [smem:$0x3FB3]  }
0x2c: {  	s7 =	sld [smem:$0x3FB4]  }
0x2d: {  	s3 =	simm.s32 $0x108;
	s8 =	sld [smem:$0x3FB5]  }
0x2e: {  	s3 =	simm.s32 @!p0 $0x1082;
	s9 =	sld [smem:$0x3FB6]  }
0x2f: {  	lr =	sadd.s32 s0, s3;
	s0 =	sld [smem:$0x3FAD]  }
0x30: {  	s3 =	sld [smem:$0x3FB0]  }
0x31: {  	[smem:$0x3FB9] =	sst s10  }
0x32: {  	s10 =	sld [smem:$0x3FB7];
	_ =	sdelay $0x3  }
0x33: {  	p0 =	seq.s32 s10, $0x1;
	s10 =	sld [smem:$0x3FB9];
	_ =	sdelay $0x3  }
0x34: {  	[smem:$0x3FB9] =	sst s10  }
0x35: {  	s10 =	sld [smem:$0x3FB8];
	_ =	sdelay $0x3  }
0x36: {  	p1 =	seq.s32 s10, $0x1;
	s10 =	sld [smem:$0x3FB9];
	_ =	sdelay $0x3  }
0x37: {  	[smem:$0x3FB9] =	sst s10  }
0x38: {  	s10 =	sld [smem:$0x3FBA]  }
0x39: {  	_ = 	snop;
	(pc) =	sbr.ind lr, $3  }
0x3a: {  	_ = 	snop  }
0x3b: {  	_ = 	snop  }
0x3c: {  	p2 =	seq.s32 s10, $0x1;
	s10 =	sld [smem:$0x3FB9]  }
0x3d: {  	_ =	shalt  }
0x3e: {  	_ =	shalt  }
0x3f: {  	_ =	shalt  }
0x40: {  	_ =	shalt  }
0x41: {  	_ =	shalt  }
0x42: {  	_ =	shalt  }
0x43: {  	_ =	shalt  }
0x44: {  	_ =	shalt  }
0x45: {  	_ =	shalt  }
0x46: {  	_ =	shalt  }
0x47: {  	_ =	shalt  }
0x48: {  	_ =	shalt  }
0x49: {  	_ =	shalt  }
0x4a: {  	_ =	shalt  }
0x4b: {  	_ =	shalt  }
0x4c: {  	_ =	shalt  }
0x4d: {  	_ =	shalt  }
0x4e: {  	_ =	shalt  }
0x4f: {  	_ =	shalt  }
0x50: {  	_ =	shalt  }
0x51: {  	_ =	shalt  }
0x52: {  	_ =	shalt  }
0x53: {  	_ =	shalt  }
0x54: {  	_ =	shalt  }
0x55: {  	_ =	shalt  }
0x56: {  	_ =	shalt  }
0x57: {  	_ =	shalt  }
0x58: {  	_ =	shalt  }
0x59: {  	_ =	shalt  }
0x5a: {  	_ =	shalt  }
0x5b: {  	_ =	shalt  }
0x5c: {  	_ =	shalt  }
0x5d: {  	_ =	shalt  }
0x5e: {  	_ =	shalt  }
0x5f: {  	_ =	shalt  }
0x60: {  	_ =	shalt  }
0x61: {  	_ =	shalt  }
0x62: {  	_ =	shalt  }
0x63: {  	_ =	shalt  }
0x64: {  	_ =	shalt  }
0x65: {  	_ =	shalt  }
0x66: {  	_ =	shalt  }
0x67: {  	_ =	shalt  }
0x68: {  	_ =	shalt  }
0x69: {  	_ =	shalt  }
0x6a: {  	_ =	shalt  }
0x6b: {  	_ =	shalt  }
0x6c: {  	_ =	shalt  }
0x6d: {  	_ =	shalt  }
0x6e: {  	_ =	shalt  }
0x6f: {  	_ =	shalt  }
0x70: {  	_ =	shalt  }
0x71: {  	_ =	shalt  }
0x72: {  	_ =	shalt  }
0x73: {  	_ =	shalt  }
0x74: {  	_ =	shalt  }
0x75: {  	_ =	shalt  }
0x76: {  	_ =	shalt  }
0x77: {  	_ =	shalt  }
0x78: {  	_ =	shalt  }
0x79: {  	_ =	shalt  }
0x7a: {  	_ =	shalt  }
0x7b: {  	_ =	shalt  }
0x7c: {  	_ =	shalt  }
0x7d: {  	_ =	shalt  }
0x7e: {  	_ =	shalt  }
0x7f: {  	_ =	shalt  }
0x80: {  	_ =	shalt  }
0x81: {  	_ =	shalt  }
0x82: {  	_ =	shalt  }
0x83: {  	_ =	shalt  }
0x84: {  	_ =	shalt  }
0x85: {  	_ =	shalt  }
0x86: {  	_ =	shalt  }
0x87: {  	_ =	shalt  }
.Lfunc_end0:
.L_simem_size_0:
called_computation_lowered:
.L_overlay_start_0:
0x88: {  	s2 =	sld [smem:$0x3FD9]  }
0x89: {  	s3 =	sld [smem:$0x3FFE];
	_ =	sdelay $0x1  }
0x8a: {  	s1 =	srdreg.scid  }
0x8b: {  	s0 =	sand.u32 $0x1, s1  }
0x8c: {  	s17 =	sshll.u32 s0, $0xA;
	s2 =	sadd.s32 s3, s2  }
0x8d: {  	s2 =	sadd.s32 s2, s17  }
0x8e: {  	[smem:$0x3FC5] =	sst s2  }
0x8f: {  	_ = 	snop  }
0x90: {  	s2 =	sld [smem:$0x3FD0];
	(tm) =	ssettm $0x1  }
0x91: {  	s18 =	sld [smem:$0x3FFB];
	_ =	sdelay $0x3  }
0x92: {  	_ =	strace s18  }
0x93: {  	s3 =	sld [smem:$0x3FFC];
	_ =	sdelay $0x3  }
0x94: {  	_ =	strace s3  }
0x95: {  	s3 =	sld [smem:$0x3FFD];
	_ =	sdelay $0x3  }
0x96: {  	_ =	strace s3  }
0x97: {  	_ =	strace $0x8FFFFFFF  }
0x98: {  	s19 =	sld [smem:$0x3FDB];
	_ =	sdelay $0x1  }
0x99: {  	s4 =	simm.s32 $_scs_section_size  }
0x9a: {  	s5 =	simm.s32 $_size__tile_overlayer_lowered;
	s6 =	simm.s32 $_tile_overlayer_lowered  }
0x9b: {  	s22 =	simm.s32 $0x1BFF;
	s21 =	sshll.u32 s6, $0x1;
	s3 =	sadd.s32 s4, s19  }
0x9c: {  	s7 =	simm.s32 $0x0;
	s20 =	sshll.u32 s5, $0x1;
	s5 =	sadd.s32 s21, s3  }
0x9d: {  	[timem:s7], [sflag:s22] =	dma.local [hbm:s5], s20  }
0x9e: {  	_ =	swait.ge [sflag:s22], s20  }
0x9f: {  	s4 =	ssub.s32 $0x0, s20;
	[sflag:s22] =	ssyncset.done $0x0  }
0xa0: {  	[sflag:s22] =	ssyncadd.s32 s4;
	_ =	sdelay $0x1  }
0xa1: {  	s23 =	simm.s32 $0x1B8B  }
0xa2: {  	_ =	swait.ge [sflag:s23], $0x1  }
0xa3: {  	[sflag:s23] =	ssyncset.done $0x0  }
0xa4: {  	s25 =	simm.s32 $0x1B8E;
	s24 =	sld [smem:$0x3FFE];
	[sflag:s23] =	ssyncadd.s32 $0xFFFFFFFF  }
0xa5: {  	s26 =	simm.s32 $execute0_lowered;
	[smem:$0x3FD2] =	sst s25  }
0xa6: {  	s5 =	sshll.u32 s26, $0x1;
	_ =	strace $0x80000046;
	[dreg:$0x1] =	wrdreg $0xFFFFFFFF  }
0xa7: {  	s28 =	simm.s32 $_size_execute0_lowered;
	s3 =	sadd.s32 s3, s5;
	[dreg:$0x0] =	wrdreg $0x0  }
0xa8: {  	s5 =	sshll.u32 s28, $0x1;
	[dreg:$0x2] =	wrdreg s3  }
0xa9: {  	[dreg:$0x3] =	wrdreg s5  }
0xaa: {  	[dreg:$0x4] =	wrdreg $0xC0  }
0xab: {  	_ =	task [dreg:s7], $0x5FFFF  }
0xac: {  	[dreg:$0x1] =	wrdreg $0xFFFFFFFF  }
0xad: {  	[dreg:$0x0] =	wrdreg $0x60  }
0xae: {  	[dreg:$0x2] =	wrdreg s24  }
0xaf: {  	[dreg:$0x3] =	wrdreg s2  }
0xb0: {  	[dreg:$0x4] =	wrdreg $0x128000  }
0xb1: {  	[dreg:$0x5] =	wrdreg $0x9  }
0xb2: {  	_ =	task.clear_ibuf [dreg:s7], $0x6FFFF;
	_ =	strace $0x90000046  }
0xb3: {  	s29 =	simm.s32 $0x9;
	_ =	strace $0x80000048  }
0xb4: {  	_ =	swait.ge [sflag:s29], $0x1  }
0xb5: {  	[sflag:s29] =	ssyncadd.s32 $0xFFFFFFFF  }
0xb6: {  	_ =	strace $0x90000048  }
0xb7: {  	_ =	sfence  }
0xb8: {  	s30 =	sld [smem:$0x0];
	_ =	sdelay $0x2  }
0xb9: {  	s31 =	sshll.u32 s1, $0xD;
	s1 =	sshrl.u32 s1, $0x2  }
0xba: {  	s3 =	sand.u32 $0x4000, s31;
	s1 =	sadd.s32 s1, s30  }
0xbb: {  	s0 =	sor.u32 s3, s0;
	s1 =	sshll.u32 s1, $0x11  }
0xbc: {  	s0 =	sor.u32 s1, s0  }
0xbd: {  	s0 =	sadd.s32 $0x8F2B, s0  }
0xbe: {  	[sflag:s0] =	ssyncadd.remote.s32 $0x1  }
0xbf: {  	_ =	sfence.sel $0xFFFF  }
0xc0: {  	[dreg:$0x0] =	wrdreg $0xFFFFFFFF;
	(pc) =	sbr.abs _section_cstart, $3  }
0xc1: {  	[dreg:$0x1] =	wrdreg $0xFFFFFFFF  }
0xc2: {  	_ =	task.clear_ibuf [dreg:s7], $0x2FFFF;
	_ =	strace $0x9FFFFFFF  }
0xc3: {  	(tm) =	ssettm $0x7FFFFFFF  }
tec
execute0_lowered:
.L_overlay_start_1:
0x0: {  	(tag) =	ssettag $0x1  }
0x1: {  	s0 =	srdreg.scid;
	s4 =	rddreg [dreg:$0x0]  }
0x2: {  	s9 =	stileid.u32;
	s10 =	rddreg [dreg:$0x1]  }
0x3: {  	s1 =	rddreg [dreg:$0x2];
	s2 =	simm.s32 $0x0;
	s13 =	simm.s32 $0x2800  }
0x4: {  	s14 =	simm.s32 $0x1;
	s15 =	simm.s32 $0xA800;
	s16 =	simm.s32 $0x2  }
0x5: {  	s17 =	simm.s32 $0x3;
	s18 =	simm.s32 $0x200;
	s19 =	simm.s32 $0x4  }
0x6: {  	s20 =	simm.s32 $0x0;
	s3 =	sand.u32 $0x1, s0;
	s0 =	rddreg [dreg:$0x3]  }
0x7: {  	s26 =	sshll.u32 s9, $0x1;
	[smem:$0x7FF] =	sst s2;
	s8 =	smul.u32 $0x280000, s9  }
0x8: {  	p0 =	sne.s32 s9, $0x0;
	s5 =	sor.u32 s3, s26;
	s12 =	smul.u32 $0x140000, s3  }
0x9: {  	s7 =	ssub.s32 $0x2, s3;
	_ =	strace $0x80000047;
	s6 =	smul.u32 $0x500, s5  }
0xa: {  	s3 =	sadd.s32 $0xAA00, s4;
	s5 =	smul.u32 $0x140000, s5;
	s11 =	sshrl.u32 s7, $0x1  }
0xb: {  	s28 =	ssub.s32 s7, s11;
	s8 =	sadd.s32 s12, s8;
	s4 =	sadd.s32 s6, s4  }
.Ltmp0:
0xc: {  	s29 =	sshrl.u32 s5, $0x3;
	s5 =	smax.u32 s28, $0x1;
	(pc) =	sbr.rel .LBB2_1-.Ltmp0, $4  }
0xd: {  	s30 =	sor.u32 $0x10000, s8;
	s12 =	sor.u32 $0x18000, s8;
	s4 =	sadd.s32 $0xA00, s4  }
0xe: {  	s6 =	sadd.s32 s10, s29;
	s11 =	sshrl.u32 s30, $0x3;
	s31 =	sshrl.u32 s12, $0x3  }
0xf: {  	s12 =	simm.s32 $0x100;
	s7 =	sadd.s32 $0x1000, s6;
	s8 =	sadd.s32 s11, s10  }
0x10: {  	s9 =	sadd.s32 s31, s10;
	s10 =	sshrl.u32 @!p0 s1, $0x3;
	s11 =	simm.s32 $0x5  }
.LBB2_4:
0x11: {  	s20 =	sadd.s32 $0x1, s20  }
0x12: {  	p1 =	sne.s32 s20, s5  }
.Ltmp1:
0x13: {  	_ = 	snop;
	(pc) =	sbr.rel @!p1 .LBB2_5-.Ltmp1, $4  }
0x14: {  	_ = 	snop  }
0x15: {  	_ =	swait.ge [sflag:s19], $0x8000  }
0x16: {  	[sflag:s19] =	ssyncset.done $0x0  }
0x17: {  	[sflag:s19] =	ssyncadd.s32 $0xFFFF8000  }
.LBB2_1:
0x18: {  	s21 =	simm.s32 @!p0 $0x1C05  }
0x19: {  	[spmem:s10], [sflag:s21] =	dma.local @!p0 [hbm:s3], $0x4000  }
0x1a: {  	s21 =	simm.s32 @!p0 $0x5  }
0x1b: {  	_ =	swait.ge @!p0 [sflag:s21], $0x4000  }
0x1c: {  	[sflag:s21] =	ssyncset.done @!p0 $0x0  }
0x1d: {  	[sflag:s21] =	ssyncadd.s32 @!p0 $0xFFFFC000  }
0x1e: {  	[tilespmem:s2], [sflag:$0x5] =	stream.linear.gather [hbm4b:s4+s2], $0x2800, $0x38;
	[tilespmem:$0x14800] =	vst v63  }
0x1f: {  	_ =	swait.ge [sflag:s11], $0x2800  }
0x20: {  	[sflag:s11] =	ssyncset.done $0x0  }
0x21: {  	[sflag:s11] =	ssyncadd.s32 $0xFFFFD800  }
0x22: {  	[bflag:$0x0] =	sbarrier.arrive $0xFFFF  }
0x23: {  	[tilespmem:s13], [sflag:$0x1] =	stream.indirect.gather [spmem:s1], $0x80, s2, s12, $0xb8;
	[tilespmem:$0x14800] =	vst v63  }
0x24: {  	_ =	swait.ge [sflag:s14], $0x8000  }
0x25: {  	[sflag:s14] =	ssyncset.done $0x0  }
0x26: {  	[sflag:s14] =	ssyncadd.s32 $0xFFFF8000  }
0x27: {  	[hbm4b:s6+s2] =	stream.linear.scatter [tilespmem:s13], [sflag:$0x3], $0x8000, $0x38;
	[tilespmem:$0x14800] =	vst v63  }
0x28: {  	_ = 	snop  }
0x29: {  	[tilespmem:s15], [sflag:$0x2] =	stream.indirect.gather [spmem:s1], $0x80, s12, s12, $0xb8;
	[tilespmem:$0x14800] =	vst v63  }
0x2a: {  	_ =	swait.ge [sflag:s16], $0x8000  }
0x2b: {  	[sflag:s16] =	ssyncset.done $0x0  }
0x2c: {  	[sflag:s16] =	ssyncadd.s32 $0xFFFF8000  }
0x2d: {  	[hbm4b:s7+s2] =	stream.linear.scatter [tilespmem:s15], [sflag:$0x4], $0x8000, $0x38;
	[tilespmem:$0x14800] =	vst v63  }
0x2e: {  	_ =	swait.ge [sflag:s17], $0x8000  }
0x2f: {  	[sflag:s17] =	ssyncset.done $0x0  }
0x30: {  	s22 =	simm.s32 $0x0;
	s21 =	simm.s32 $0x400;
	[sflag:s17] =	ssyncadd.s32 $0xFFFF8000  }
0x31: {  	[tilespmem:s13], [sflag:$0x1] =	stream.indirect.gather [spmem:s1], $0x80, s18, s12, $0xb8;
	[tilespmem:$0x14800] =	vst v63  }
.LBB2_2:
0x32: {  	_ =	swait.ge [sflag:s14], $0x8000  }
0x33: {  	[sflag:s14] =	ssyncset.done $0x0  }
0x34: {  	s23 =	sadd.s32 s22, s8;
	[sflag:s14] =	ssyncadd.s32 $0xFFFF8000  }
0x35: {  	[hbm4b:s23+s2] =	stream.linear.scatter [tilespmem:s13], [sflag:$0x3], $0x8000, $0x38;
	[tilespmem:$0x14800] =	vst v63  }
0x36: {  	_ =	swait.ge [sflag:s19], $0x8000  }
0x37: {  	[sflag:s19] =	ssyncset.done $0x0  }
0x38: {  	s30 =	sadd.s32 $0xFFFFFF00, s21;
	[sflag:s19] =	ssyncadd.s32 $0xFFFF8000  }
0x39: {  	[tilespmem:s15], [sflag:$0x2] =	stream.indirect.gather [spmem:s1], $0x80, s30, s12, $0xb8;
	[tilespmem:$0x14800] =	vst v63  }
0x3a: {  	_ =	swait.ge [sflag:s16], $0x8000  }
0x3b: {  	p1 =	seq.s32 s22, $0x24000;
	[sflag:s16] =	ssyncset.done $0x0  }
.Ltmp2:
0x3c: {  	s31 =	sadd.s32 s22, s9;
	[sflag:s16] =	ssyncadd.s32 $0xFFFF8000;
	(pc) =	sbr.rel @p1 .LBB2_4-.Ltmp2, $4  }
0x3d: {  	[hbm4b:s31+s2] =	stream.linear.scatter [tilespmem:s15], [sflag:$0x4], $0x8000, $0x38;
	[tilespmem:$0x14800] =	vst v63  }
0x3e: {  	_ =	swait.ge [sflag:s17], $0x8000  }
0x3f: {  	[sflag:s17] =	ssyncset.done $0x0  }
0x40: {  	[sflag:s17] =	ssyncadd.s32 $0xFFFF8000  }
.Ltmp3:
0x41: {  	(pc) =	sbr.rel .LBB2_2-.Ltmp3, $3  }
0x42: {  	_ =	sdelay $0x1  }
0x43: {  	[tilespmem:s13], [sflag:$0x1] =	stream.indirect.gather [spmem:s1], $0x80, s21, s12, $0xb8;
	[tilespmem:$0x14800] =	vst v63  }
0x44: {  	s21 =	sadd.s32 $0x200, s21;
	s22 =	sadd.s32 $0x2000, s22  }
.LBB2_5:
0x45: {  	_ =	sfence.sel $0x180000  }
0x46: {  	[bflag:$0x0] =	sbarrier.arrive $0xFFFF  }
0x47: {  	_ =	strace $0x90000047  }
0x48: {  	s0 =	sadd.s32 @!p0 $0x100000, s0;
	[bflag:$0x2] =	sbarrier.arrive $0xFFFF  }
0x49: {  	[sflag:s0] =	ssyncadd.tile.s32 @!p0 $0x1;
	_ =	shalt  }
.Lfunc_end2:
_tile_overlayer_lowered:
.L_overlay_start_2:
0x4a: {  	(tag) =	ssettag $0x2  }
0x4b: {  	s0 =	rddreg [dreg:$0x0];
	s2 =	stileid.u32  }
0x4c: {  	s1 =	rddreg [dreg:$0x1];
	p0 =	sne.s32 s2, $0x0  }
0x4d: {  	s3 =	rddreg [dreg:$0x2];
	[bflag:$0x3] =	sbarrier.arrive $0xFFFF;
	s2 =	simm.s32 @!p0 $0x1C05  }
0x4e: {  	[timem:s3], [sflag:s2] =	dma.local @!p0 [hbm:s0], s1  }
0x4f: {  	s0 =	simm.s32 @!p0 $0x5  }
0x50: {  	_ =	swait.ge @!p0 [sflag:s0], s1  }
0x51: {  	s1 =	ssub.s32 @!p0 $0x0, s1;
	[sflag:s0] =	ssyncset.done @!p0 $0x0  }
0x52: {  	[sflag:s0] =	ssyncadd.s32 @!p0 s1  }
0x53: {  	[bflag:$0x3] =	sbarrier.arrive $0xFFFF  }
0x54: {  	_ =	shalt  }

</sc_bundles>
